<compile_context>
chip_gen: v7x
topology: tpu7x:2x2x1
jax: 0.10.2.dev20260603
libtpu: 0.0.44.dev20260713+nightly
codegen_flags: <defaults>
</compile_context>

<pallas_src>
import functools

import jax
import jax.numpy as jnp
from jax import lax
from jax.experimental import pallas as pl
from jax.experimental.pallas import tpu as pltpu
from jax.experimental.pallas import tpu_sc as plsc

PERM = (0, 2, 1, 3)
NC = 2
RT = 256
TPW = RT // NC


HALF = TPW // 2


def _body(x_hbm, out_hbm, x_s, sem_in0, sem_in1, sem_out):
    cid = lax.axis_index("c")
    rt0 = cid * TPW

    ins = [[], []]
    for h, sem in ((0, sem_in0), (1, sem_in1)):
        for a in range(4):
            ins[h].append(pltpu.make_async_copy(
                x_hbm.at[:, pl.ds(rt0 + h * HALF, HALF), pl.ds(PERM[a], 1)],
                x_s.at[:, pl.ds(h * HALF, HALF), pl.ds(a, 1)],
                sem,
            ))
    outs = [pltpu.make_async_copy(
        x_s.at[:, pl.ds(h * HALF, HALF)],
        out_hbm.at[:, pl.ds(rt0 + h * HALF, HALF)],
        sem_out,
    ) for h in range(2)]

    for h in range(2):
        for c in ins[h]:
            c.start()
    for c in ins[0]:
        c.wait()
    outs[0].start()
    for c in ins[1]:
        c.wait()
    outs[1].start()
    outs[0].wait()
    outs[1].wait()


def kernel(X):
    xv = X.transpose(2, 1, 0).reshape(3, 4, RT, 128).transpose(0, 2, 1, 3)
    mesh = plsc.ScalarSubcoreMesh(axis_name="c", num_cores=NC)
    run = functools.partial(
        pl.kernel,
        mesh=mesh,
        out_type=jax.ShapeDtypeStruct((3, RT, 4, 128), jnp.float32),
        compiler_params=pltpu.CompilerParams(needs_layout_passes=False),
        scratch_types=[
            pltpu.VMEM_SHARED((3, TPW, 4, 128), jnp.float32),
            pltpu.SemaphoreType.DMA,
            pltpu.SemaphoreType.DMA,
            pltpu.SemaphoreType.DMA,
        ],
    )(_body)
    out = run(xv)
    return out.transpose(0, 2, 1, 3).reshape(3, 4, 32768).transpose(2, 1, 0)

# --- scband reference (transcript-rebuilt; emitter-appended) ---
"""Pipeline reference for scband-reorder-41257455845674 (READ-ONLY COPY).

The authoritative reference and input builder live on the scoring server;
editing this copy changes nothing except your own understanding.
"""

import jax, jax.numpy as jnp
import numpy as np


def setup_inputs(seed: int = 0) -> dict:
    key = jax.random.key(seed)
    X = jax.random.normal(key, (32768, 4, 3), dtype=jnp.float32)
    return {"X": X}


def reference(X):
    # Reorder backbone atoms N, C, Ca, O -> N, Ca, C, O (permute axis 1 by [0,2,1,3])
    perm = jnp.array([0, 2, 1, 3], dtype=jnp.int32)
    reordered_X = jnp.take(X, perm, axis=1)
    return reordered_X

if __name__ == "__main__":
    import jax
    _d = setup_inputs()
    print(jax.jit(kernel)(*tuple(_d.values())))

</pallas_src>

<mosaic_0001>
#map = affine_map<(d0) -> (0, 0, 0, 0)>
module attributes {stable_mosaic.version = 14 : i64} {
  func.func @_body(%arg0: i32, %arg1: memref<3x256x4x128xf32, #tpu.memory_space<hbm>>, %arg2: memref<3x256x4x128xf32, #tpu.memory_space<hbm>>, %arg3: memref<3x128x4x128xf32, #tpu.memory_space<vmem_shared>>, %arg4: memref<!tpu.dma_semaphore, #tpu.memory_space<semaphore_mem>>, %arg5: memref<!tpu.dma_semaphore, #tpu.memory_space<semaphore_mem>>, %arg6: memref<!tpu.dma_semaphore, #tpu.memory_space<semaphore_mem>>) attributes {dimension_semantics = [#tpu.dimension_semantics<core_parallel>], iteration_bounds = array<i64: 2>, scalar_prefetch = 0 : i64, scratch_operands = 4 : i64, tpu.core_type = #tpu.core_type<sc_scalar_subcore>, window_params = [{transform_indices = #map}, {transform_indices = #map}]} {
    %mul3A = arith.constant 128 : i32
    %mul3A_0 = arith.muli %arg0, %mul3A : i32
    %add3A = arith.constant 0 : i32
    %add3A_1 = arith.addi %mul3A_0, %add3A : i32
    %add3A_2 = arith.constant 0 : i32
    %add3A_3 = arith.addi %mul3A_0, %add3A_2 : i32
    %add3A_4 = arith.constant 0 : i32
    %add3A_5 = arith.addi %mul3A_0, %add3A_4 : i32
    %add3A_6 = arith.constant 0 : i32
    %add3A_7 = arith.addi %mul3A_0, %add3A_6 : i32
    %add3A_8 = arith.constant 64 : i32
    %add3A_9 = arith.addi %mul3A_0, %add3A_8 : i32
    %add3A_10 = arith.constant 64 : i32
    %add3A_11 = arith.addi %mul3A_0, %add3A_10 : i32
    %add3A_12 = arith.constant 64 : i32
    %add3A_13 = arith.addi %mul3A_0, %add3A_12 : i32
    %add3A_14 = arith.constant 64 : i32
    %add3A_15 = arith.addi %mul3A_0, %add3A_14 : i32
    %add3A_16 = arith.constant 0 : i32
    %add3A_17 = arith.addi %mul3A_0, %add3A_16 : i32
    %add3A_18 = arith.constant 64 : i32
    %add3A_19 = arith.addi %mul3A_0, %add3A_18 : i32
    %dma_start3A = arith.constant 0 : i32
    %dma_start3A_20 = arith.constant 0 : i32
    %dma_start3A_21 = arith.constant 0 : i32
    %dma_start3A_22 = arith.constant 0 : i32
    %dma_start3A_23 = tpu.memref_slice %arg3[%dma_start3A, %dma_start3A_20, %dma_start3A_21, %dma_start3A_22] : memref<3x128x4x128xf32, #tpu.memory_space<vmem_shared>> -> memref<3x64x1x128xf32, #tpu.memory_space<vmem_shared>>
    %dma_start3A_24 = arith.constant 0 : i32
    %dma_start3A_25 = arith.constant 0 : i32
    %dma_start3A_26 = arith.constant 0 : i32
    %dma_start3A_27 = tpu.memref_slice %arg1[%dma_start3A_24, %add3A_1, %dma_start3A_25, %dma_start3A_26] : memref<3x256x4x128xf32, #tpu.memory_space<hbm>> -> memref<3x64x1x128xf32, #tpu.memory_space<hbm>>
    tpu.enqueue_dma source(%dma_start3A_27 : memref<3x64x1x128xf32, #tpu.memory_space<hbm>>) target(%dma_start3A_23 : memref<3x64x1x128xf32, #tpu.memory_space<vmem_shared>>) target_semaphore(%arg4 : memref<!tpu.dma_semaphore, #tpu.memory_space<semaphore_mem>>)
    %dma_start3A_28 = arith.constant 0 : i32
    %dma_start3A_29 = arith.constant 0 : i32
    %dma_start3A_30 = arith.constant 1 : i32
    %dma_start3A_31 = arith.constant 0 : i32
    %dma_start3A_32 = tpu.memref_slice %arg3[%dma_start3A_28, %dma_start3A_29, %dma_start3A_30, %dma_start3A_31] : memref<3x128x4x128xf32, #tpu.memory_space<vmem_shared>> -> memref<3x64x1x128xf32, #tpu.memory_space<vmem_shared>>
    %dma_start3A_33 = arith.constant 0 : i32
    %dma_start3A_34 = arith.constant 2 : i32
    %dma_start3A_35 = arith.constant 0 : i32
    %dma_start3A_36 = tpu.memref_slice %arg1[%dma_start3A_33, %add3A_3, %dma_start3A_34, %dma_start3A_35] : memref<3x256x4x128xf32, #tpu.memory_space<hbm>> -> memref<3x64x1x128xf32, #tpu.memory_space<hbm>>
    tpu.enqueue_dma source(%dma_start3A_36 : memref<3x64x1x128xf32, #tpu.memory_space<hbm>>) target(%dma_start3A_32 : memref<3x64x1x128xf32, #tpu.memory_space<vmem_shared>>) target_semaphore(%arg4 : memref<!tpu.dma_semaphore, #tpu.memory_space<semaphore_mem>>)
    %dma_start3A_37 = arith.constant 0 : i32
    %dma_start3A_38 = arith.constant 0 : i32
    %dma_start3A_39 = arith.constant 2 : i32
    %dma_start3A_40 = arith.constant 0 : i32
    %dma_start3A_41 = tpu.memref_slice %arg3[%dma_start3A_37, %dma_start3A_38, %dma_start3A_39, %dma_start3A_40] : memref<3x128x4x128xf32, #tpu.memory_space<vmem_shared>> -> memref<3x64x1x128xf32, #tpu.memory_space<vmem_shared>>
    %dma_start3A_42 = arith.constant 0 : i32
    %dma_start3A_43 = arith.constant 1 : i32
    %dma_start3A_44 = arith.constant 0 : i32
    %dma_start3A_45 = tpu.memref_slice %arg1[%dma_start3A_42, %add3A_5, %dma_start3A_43, %dma_start3A_44] : memref<3x256x4x128xf32, #tpu.memory_space<hbm>> -> memref<3x64x1x128xf32, #tpu.memory_space<hbm>>
    tpu.enqueue_dma source(%dma_start3A_45 : memref<3x64x1x128xf32, #tpu.memory_space<hbm>>) target(%dma_start3A_41 : memref<3x64x1x128xf32, #tpu.memory_space<vmem_shared>>) target_semaphore(%arg4 : memref<!tpu.dma_semaphore, #tpu.memory_space<semaphore_mem>>)
    %dma_start3A_46 = arith.constant 0 : i32
    %dma_start3A_47 = arith.constant 0 : i32
    %dma_start3A_48 = arith.constant 3 : i32
    %dma_start3A_49 = arith.constant 0 : i32
    %dma_start3A_50 = tpu.memref_slice %arg3[%dma_start3A_46, %dma_start3A_47, %dma_start3A_48, %dma_start3A_49] : memref<3x128x4x128xf32, #tpu.memory_space<vmem_shared>> -> memref<3x64x1x128xf32, #tpu.memory_space<vmem_shared>>
    %dma_start3A_51 = arith.constant 0 : i32
    %dma_start3A_52 = arith.constant 3 : i32
    %dma_start3A_53 = arith.constant 0 : i32
    %dma_start3A_54 = tpu.memref_slice %arg1[%dma_start3A_51, %add3A_7, %dma_start3A_52, %dma_start3A_53] : memref<3x256x4x128xf32, #tpu.memory_space<hbm>> -> memref<3x64x1x128xf32, #tpu.memory_space<hbm>>
    tpu.enqueue_dma source(%dma_start3A_54 : memref<3x64x1x128xf32, #tpu.memory_space<hbm>>) target(%dma_start3A_50 : memref<3x64x1x128xf32, #tpu.memory_space<vmem_shared>>) target_semaphore(%arg4 : memref<!tpu.dma_semaphore, #tpu.memory_space<semaphore_mem>>)
    %dma_start3A_55 = arith.constant 0 : i32
    %dma_start3A_56 = arith.constant 64 : i32
    %dma_start3A_57 = arith.constant 0 : i32
    %dma_start3A_58 = arith.constant 0 : i32
    %dma_start3A_59 = tpu.memref_slice %arg3[%dma_start3A_55, %dma_start3A_56, %dma_start3A_57, %dma_start3A_58] : memref<3x128x4x128xf32, #tpu.memory_space<vmem_shared>> -> memref<3x64x1x128xf32, #tpu.memory_space<vmem_shared>>
    %dma_start3A_60 = arith.constant 0 : i32
    %dma_start3A_61 = arith.constant 0 : i32
    %dma_start3A_62 = arith.constant 0 : i32
    %dma_start3A_63 = tpu.memref_slice %arg1[%dma_start3A_60, %add3A_9, %dma_start3A_61, %dma_start3A_62] : memref<3x256x4x128xf32, #tpu.memory_space<hbm>> -> memref<3x64x1x128xf32, #tpu.memory_space<hbm>>
    tpu.enqueue_dma source(%dma_start3A_63 : memref<3x64x1x128xf32, #tpu.memory_space<hbm>>) target(%dma_start3A_59 : memref<3x64x1x128xf32, #tpu.memory_space<vmem_shared>>) target_semaphore(%arg5 : memref<!tpu.dma_semaphore, #tpu.memory_space<semaphore_mem>>)
    %dma_start3A_64 = arith.constant 0 : i32
    %dma_start3A_65 = arith.constant 64 : i32
    %dma_start3A_66 = arith.constant 1 : i32
    %dma_start3A_67 = arith.constant 0 : i32
    %dma_start3A_68 = tpu.memref_slice %arg3[%dma_start3A_64, %dma_start3A_65, %dma_start3A_66, %dma_start3A_67] : memref<3x128x4x128xf32, #tpu.memory_space<vmem_shared>> -> memref<3x64x1x128xf32, #tpu.memory_space<vmem_shared>>
    %dma_start3A_69 = arith.constant 0 : i32
    %dma_start3A_70 = arith.constant 2 : i32
    %dma_start3A_71 = arith.constant 0 : i32
    %dma_start3A_72 = tpu.memref_slice %arg1[%dma_start3A_69, %add3A_11, %dma_start3A_70, %dma_start3A_71] : memref<3x256x4x128xf32, #tpu.memory_space<hbm>> -> memref<3x64x1x128xf32, #tpu.memory_space<hbm>>
    tpu.enqueue_dma source(%dma_start3A_72 : memref<3x64x1x128xf32, #tpu.memory_space<hbm>>) target(%dma_start3A_68 : memref<3x64x1x128xf32, #tpu.memory_space<vmem_shared>>) target_semaphore(%arg5 : memref<!tpu.dma_semaphore, #tpu.memory_space<semaphore_mem>>)
    %dma_start3A_73 = arith.constant 0 : i32
    %dma_start3A_74 = arith.constant 64 : i32
    %dma_start3A_75 = arith.constant 2 : i32
    %dma_start3A_76 = arith.constant 0 : i32
    %dma_start3A_77 = tpu.memref_slice %arg3[%dma_start3A_73, %dma_start3A_74, %dma_start3A_75, %dma_start3A_76] : memref<3x128x4x128xf32, #tpu.memory_space<vmem_shared>> -> memref<3x64x1x128xf32, #tpu.memory_space<vmem_shared>>
    %dma_start3A_78 = arith.constant 0 : i32
    %dma_start3A_79 = arith.constant 1 : i32
    %dma_start3A_80 = arith.constant 0 : i32
    %dma_start3A_81 = tpu.memref_slice %arg1[%dma_start3A_78, %add3A_13, %dma_start3A_79, %dma_start3A_80] : memref<3x256x4x128xf32, #tpu.memory_space<hbm>> -> memref<3x64x1x128xf32, #tpu.memory_space<hbm>>
    tpu.enqueue_dma source(%dma_start3A_81 : memref<3x64x1x128xf32, #tpu.memory_space<hbm>>) target(%dma_start3A_77 : memref<3x64x1x128xf32, #tpu.memory_space<vmem_shared>>) target_semaphore(%arg5 : memref<!tpu.dma_semaphore, #tpu.memory_space<semaphore_mem>>)
    %dma_start3A_82 = arith.constant 0 : i32
    %dma_start3A_83 = arith.constant 64 : i32
    %dma_start3A_84 = arith.constant 3 : i32
    %dma_start3A_85 = arith.constant 0 : i32
    %dma_start3A_86 = tpu.memref_slice %arg3[%dma_start3A_82, %dma_start3A_83, %dma_start3A_84, %dma_start3A_85] : memref<3x128x4x128xf32, #tpu.memory_space<vmem_shared>> -> memref<3x64x1x128xf32, #tpu.memory_space<vmem_shared>>
    %dma_start3A_87 = arith.constant 0 : i32
    %dma_start3A_88 = arith.constant 3 : i32
    %dma_start3A_89 = arith.constant 0 : i32
    %dma_start3A_90 = tpu.memref_slice %arg1[%dma_start3A_87, %add3A_15, %dma_start3A_88, %dma_start3A_89] : memref<3x256x4x128xf32, #tpu.memory_space<hbm>> -> memref<3x64x1x128xf32, #tpu.memory_space<hbm>>
    tpu.enqueue_dma source(%dma_start3A_90 : memref<3x64x1x128xf32, #tpu.memory_space<hbm>>) target(%dma_start3A_86 : memref<3x64x1x128xf32, #tpu.memory_space<vmem_shared>>) target_semaphore(%arg5 : memref<!tpu.dma_semaphore, #tpu.memory_space<semaphore_mem>>)
    %dma_wait3A = arith.constant 0 : i32
    %dma_wait3A_91 = arith.constant 0 : i32
    %dma_wait3A_92 = arith.constant 0 : i32
    %dma_wait3A_93 = arith.constant 0 : i32
    %dma_wait3A_94 = tpu.memref_slice %arg3[%dma_wait3A, %dma_wait3A_91, %dma_wait3A_92, %dma_wait3A_93] : memref<3x128x4x128xf32, #tpu.memory_space<vmem_shared>> -> memref<3x64x1x128xf32, #tpu.memory_space<vmem_shared>>
    %dma_wait3A_95 = arith.constant 0 : i32
    %dma_wait3A_96 = arith.constant 0 : i32
    %dma_wait3A_97 = arith.constant 0 : i32
    %dma_wait3A_98 = tpu.memref_slice %arg1[%dma_wait3A_95, %add3A_1, %dma_wait3A_96, %dma_wait3A_97] : memref<3x256x4x128xf32, #tpu.memory_space<hbm>> -> memref<3x64x1x128xf32, #tpu.memory_space<hbm>>
    tpu.wait_dma2 semaphore(%arg4 : memref<!tpu.dma_semaphore, #tpu.memory_space<semaphore_mem>>) src(%dma_wait3A_98 : memref<3x64x1x128xf32, #tpu.memory_space<hbm>>) dst(%dma_wait3A_94 : memref<3x64x1x128xf32, #tpu.memory_space<vmem_shared>>)
    %dma_wait3A_99 = arith.constant 0 : i32
    %dma_wait3A_100 = arith.constant 0 : i32
    %dma_wait3A_101 = arith.constant 1 : i32
    %dma_wait3A_102 = arith.constant 0 : i32
    %dma_wait3A_103 = tpu.memref_slice %arg3[%dma_wait3A_99, %dma_wait3A_100, %dma_wait3A_101, %dma_wait3A_102] : memref<3x128x4x128xf32, #tpu.memory_space<vmem_shared>> -> memref<3x64x1x128xf32, #tpu.memory_space<vmem_shared>>
    %dma_wait3A_104 = arith.constant 0 : i32
    %dma_wait3A_105 = arith.constant 2 : i32
    %dma_wait3A_106 = arith.constant 0 : i32
    %dma_wait3A_107 = tpu.memref_slice %arg1[%dma_wait3A_104, %add3A_3, %dma_wait3A_105, %dma_wait3A_106] : memref<3x256x4x128xf32, #tpu.memory_space<hbm>> -> memref<3x64x1x128xf32, #tpu.memory_space<hbm>>
    tpu.wait_dma2 semaphore(%arg4 : memref<!tpu.dma_semaphore, #tpu.memory_space<semaphore_mem>>) src(%dma_wait3A_107 : memref<3x64x1x128xf32, #tpu.memory_space<hbm>>) dst(%dma_wait3A_103 : memref<3x64x1x128xf32, #tpu.memory_space<vmem_shared>>)
    %dma_wait3A_108 = arith.constant 0 : i32
    %dma_wait3A_109 = arith.constant 0 : i32
    %dma_wait3A_110 = arith.constant 2 : i32
    %dma_wait3A_111 = arith.constant 0 : i32
    %dma_wait3A_112 = tpu.memref_slice %arg3[%dma_wait3A_108, %dma_wait3A_109, %dma_wait3A_110, %dma_wait3A_111] : memref<3x128x4x128xf32, #tpu.memory_space<vmem_shared>> -> memref<3x64x1x128xf32, #tpu.memory_space<vmem_shared>>
    %dma_wait3A_113 = arith.constant 0 : i32
    %dma_wait3A_114 = arith.constant 1 : i32
    %dma_wait3A_115 = arith.constant 0 : i32
    %dma_wait3A_116 = tpu.memref_slice %arg1[%dma_wait3A_113, %add3A_5, %dma_wait3A_114, %dma_wait3A_115] : memref<3x256x4x128xf32, #tpu.memory_space<hbm>> -> memref<3x64x1x128xf32, #tpu.memory_space<hbm>>
    tpu.wait_dma2 semaphore(%arg4 : memref<!tpu.dma_semaphore, #tpu.memory_space<semaphore_mem>>) src(%dma_wait3A_116 : memref<3x64x1x128xf32, #tpu.memory_space<hbm>>) dst(%dma_wait3A_112 : memref<3x64x1x128xf32, #tpu.memory_space<vmem_shared>>)
    %dma_wait3A_117 = arith.constant 0 : i32
    %dma_wait3A_118 = arith.constant 0 : i32
    %dma_wait3A_119 = arith.constant 3 : i32
    %dma_wait3A_120 = arith.constant 0 : i32
    %dma_wait3A_121 = tpu.memref_slice %arg3[%dma_wait3A_117, %dma_wait3A_118, %dma_wait3A_119, %dma_wait3A_120] : memref<3x128x4x128xf32, #tpu.memory_space<vmem_shared>> -> memref<3x64x1x128xf32, #tpu.memory_space<vmem_shared>>
    %dma_wait3A_122 = arith.constant 0 : i32
    %dma_wait3A_123 = arith.constant 3 : i32
    %dma_wait3A_124 = arith.constant 0 : i32
    %dma_wait3A_125 = tpu.memref_slice %arg1[%dma_wait3A_122, %add3A_7, %dma_wait3A_123, %dma_wait3A_124] : memref<3x256x4x128xf32, #tpu.memory_space<hbm>> -> memref<3x64x1x128xf32, #tpu.memory_space<hbm>>
    tpu.wait_dma2 semaphore(%arg4 : memref<!tpu.dma_semaphore, #tpu.memory_space<semaphore_mem>>) src(%dma_wait3A_125 : memref<3x64x1x128xf32, #tpu.memory_space<hbm>>) dst(%dma_wait3A_121 : memref<3x64x1x128xf32, #tpu.memory_space<vmem_shared>>)
    %dma_start3A_126 = arith.constant 0 : i32
    %dma_start3A_127 = arith.constant 0 : i32
    %dma_start3A_128 = arith.constant 0 : i32
    %dma_start3A_129 = tpu.memref_slice %arg2[%dma_start3A_126, %add3A_17, %dma_start3A_127, %dma_start3A_128] : memref<3x256x4x128xf32, #tpu.memory_space<hbm>> -> memref<3x64x4x128xf32, #tpu.memory_space<hbm>>
    %dma_start3A_130 = arith.constant 0 : i32
    %dma_start3A_131 = arith.constant 0 : i32
    %dma_start3A_132 = arith.constant 0 : i32
    %dma_start3A_133 = arith.constant 0 : i32
    %dma_start3A_134 = tpu.memref_slice %arg3[%dma_start3A_130, %dma_start3A_131, %dma_start3A_132, %dma_start3A_133] : memref<3x128x4x128xf32, #tpu.memory_space<vmem_shared>> -> memref<3x64x4x128xf32, #tpu.memory_space<vmem_shared>>
    tpu.enqueue_dma source(%dma_start3A_134 : memref<3x64x4x128xf32, #tpu.memory_space<vmem_shared>>) target(%dma_start3A_129 : memref<3x64x4x128xf32, #tpu.memory_space<hbm>>) target_semaphore(%arg6 : memref<!tpu.dma_semaphore, #tpu.memory_space<semaphore_mem>>)
    %dma_wait3A_135 = arith.constant 0 : i32
    %dma_wait3A_136 = arith.constant 64 : i32
    %dma_wait3A_137 = arith.constant 0 : i32
    %dma_wait3A_138 = arith.constant 0 : i32
    %dma_wait3A_139 = tpu.memref_slice %arg3[%dma_wait3A_135, %dma_wait3A_136, %dma_wait3A_137, %dma_wait3A_138] : memref<3x128x4x128xf32, #tpu.memory_space<vmem_shared>> -> memref<3x64x1x128xf32, #tpu.memory_space<vmem_shared>>
    %dma_wait3A_140 = arith.constant 0 : i32
    %dma_wait3A_141 = arith.constant 0 : i32
    %dma_wait3A_142 = arith.constant 0 : i32
    %dma_wait3A_143 = tpu.memref_slice %arg1[%dma_wait3A_140, %add3A_9, %dma_wait3A_141, %dma_wait3A_142] : memref<3x256x4x128xf32, #tpu.memory_space<hbm>> -> memref<3x64x1x128xf32, #tpu.memory_space<hbm>>
    tpu.wait_dma2 semaphore(%arg5 : memref<!tpu.dma_semaphore, #tpu.memory_space<semaphore_mem>>) src(%dma_wait3A_143 : memref<3x64x1x128xf32, #tpu.memory_space<hbm>>) dst(%dma_wait3A_139 : memref<3x64x1x128xf32, #tpu.memory_space<vmem_shared>>)
    %dma_wait3A_144 = arith.constant 0 : i32
    %dma_wait3A_145 = arith.constant 64 : i32
    %dma_wait3A_146 = arith.constant 1 : i32
    %dma_wait3A_147 = arith.constant 0 : i32
    %dma_wait3A_148 = tpu.memref_slice %arg3[%dma_wait3A_144, %dma_wait3A_145, %dma_wait3A_146, %dma_wait3A_147] : memref<3x128x4x128xf32, #tpu.memory_space<vmem_shared>> -> memref<3x64x1x128xf32, #tpu.memory_space<vmem_shared>>
    %dma_wait3A_149 = arith.constant 0 : i32
    %dma_wait3A_150 = arith.constant 2 : i32
    %dma_wait3A_151 = arith.constant 0 : i32
    %dma_wait3A_152 = tpu.memref_slice %arg1[%dma_wait3A_149, %add3A_11, %dma_wait3A_150, %dma_wait3A_151] : memref<3x256x4x128xf32, #tpu.memory_space<hbm>> -> memref<3x64x1x128xf32, #tpu.memory_space<hbm>>
    tpu.wait_dma2 semaphore(%arg5 : memref<!tpu.dma_semaphore, #tpu.memory_space<semaphore_mem>>) src(%dma_wait3A_152 : memref<3x64x1x128xf32, #tpu.memory_space<hbm>>) dst(%dma_wait3A_148 : memref<3x64x1x128xf32, #tpu.memory_space<vmem_shared>>)
    %dma_wait3A_153 = arith.constant 0 : i32
    %dma_wait3A_154 = arith.constant 64 : i32
    %dma_wait3A_155 = arith.constant 2 : i32
    %dma_wait3A_156 = arith.constant 0 : i32
    %dma_wait3A_157 = tpu.memref_slice %arg3[%dma_wait3A_153, %dma_wait3A_154, %dma_wait3A_155, %dma_wait3A_156] : memref<3x128x4x128xf32, #tpu.memory_space<vmem_shared>> -> memref<3x64x1x128xf32, #tpu.memory_space<vmem_shared>>
    %dma_wait3A_158 = arith.constant 0 : i32
    %dma_wait3A_159 = arith.constant 1 : i32
    %dma_wait3A_160 = arith.constant 0 : i32
    %dma_wait3A_161 = tpu.memref_slice %arg1[%dma_wait3A_158, %add3A_13, %dma_wait3A_159, %dma_wait3A_160] : memref<3x256x4x128xf32, #tpu.memory_space<hbm>> -> memref<3x64x1x128xf32, #tpu.memory_space<hbm>>
    tpu.wait_dma2 semaphore(%arg5 : memref<!tpu.dma_semaphore, #tpu.memory_space<semaphore_mem>>) src(%dma_wait3A_161 : memref<3x64x1x128xf32, #tpu.memory_space<hbm>>) dst(%dma_wait3A_157 : memref<3x64x1x128xf32, #tpu.memory_space<vmem_shared>>)
    %dma_wait3A_162 = arith.constant 0 : i32
    %dma_wait3A_163 = arith.constant 64 : i32
    %dma_wait3A_164 = arith.constant 3 : i32
    %dma_wait3A_165 = arith.constant 0 : i32
    %dma_wait3A_166 = tpu.memref_slice %arg3[%dma_wait3A_162, %dma_wait3A_163, %dma_wait3A_164, %dma_wait3A_165] : memref<3x128x4x128xf32, #tpu.memory_space<vmem_shared>> -> memref<3x64x1x128xf32, #tpu.memory_space<vmem_shared>>
    %dma_wait3A_167 = arith.constant 0 : i32
    %dma_wait3A_168 = arith.constant 3 : i32
    %dma_wait3A_169 = arith.constant 0 : i32
    %dma_wait3A_170 = tpu.memref_slice %arg1[%dma_wait3A_167, %add3A_15, %dma_wait3A_168, %dma_wait3A_169] : memref<3x256x4x128xf32, #tpu.memory_space<hbm>> -> memref<3x64x1x128xf32, #tpu.memory_space<hbm>>
    tpu.wait_dma2 semaphore(%arg5 : memref<!tpu.dma_semaphore, #tpu.memory_space<semaphore_mem>>) src(%dma_wait3A_170 : memref<3x64x1x128xf32, #tpu.memory_space<hbm>>) dst(%dma_wait3A_166 : memref<3x64x1x128xf32, #tpu.memory_space<vmem_shared>>)
    %dma_start3A_171 = arith.constant 0 : i32
    %dma_start3A_172 = arith.constant 0 : i32
    %dma_start3A_173 = arith.constant 0 : i32
    %dma_start3A_174 = tpu.memref_slice %arg2[%dma_start3A_171, %add3A_19, %dma_start3A_172, %dma_start3A_173] : memref<3x256x4x128xf32, #tpu.memory_space<hbm>> -> memref<3x64x4x128xf32, #tpu.memory_space<hbm>>
    %dma_start3A_175 = arith.constant 0 : i32
    %dma_start3A_176 = arith.constant 64 : i32
    %dma_start3A_177 = arith.constant 0 : i32
    %dma_start3A_178 = arith.constant 0 : i32
    %dma_start3A_179 = tpu.memref_slice %arg3[%dma_start3A_175, %dma_start3A_176, %dma_start3A_177, %dma_start3A_178] : memref<3x128x4x128xf32, #tpu.memory_space<vmem_shared>> -> memref<3x64x4x128xf32, #tpu.memory_space<vmem_shared>>
    tpu.enqueue_dma source(%dma_start3A_179 : memref<3x64x4x128xf32, #tpu.memory_space<vmem_shared>>) target(%dma_start3A_174 : memref<3x64x4x128xf32, #tpu.memory_space<hbm>>) target_semaphore(%arg6 : memref<!tpu.dma_semaphore, #tpu.memory_space<semaphore_mem>>)
    %dma_wait3A_180 = arith.constant 0 : i32
    %dma_wait3A_181 = arith.constant 0 : i32
    %dma_wait3A_182 = arith.constant 0 : i32
    %dma_wait3A_183 = tpu.memref_slice %arg2[%dma_wait3A_180, %add3A_17, %dma_wait3A_181, %dma_wait3A_182] : memref<3x256x4x128xf32, #tpu.memory_space<hbm>> -> memref<3x64x4x128xf32, #tpu.memory_space<hbm>>
    %dma_wait3A_184 = arith.constant 0 : i32
    %dma_wait3A_185 = arith.constant 0 : i32
    %dma_wait3A_186 = arith.constant 0 : i32
    %dma_wait3A_187 = arith.constant 0 : i32
    %dma_wait3A_188 = tpu.memref_slice %arg3[%dma_wait3A_184, %dma_wait3A_185, %dma_wait3A_186, %dma_wait3A_187] : memref<3x128x4x128xf32, #tpu.memory_space<vmem_shared>> -> memref<3x64x4x128xf32, #tpu.memory_space<vmem_shared>>
    tpu.wait_dma2 semaphore(%arg6 : memref<!tpu.dma_semaphore, #tpu.memory_space<semaphore_mem>>) src(%dma_wait3A_188 : memref<3x64x4x128xf32, #tpu.memory_space<vmem_shared>>) dst(%dma_wait3A_183 : memref<3x64x4x128xf32, #tpu.memory_space<hbm>>)
    %dma_wait3A_189 = arith.constant 0 : i32
    %dma_wait3A_190 = arith.constant 0 : i32
    %dma_wait3A_191 = arith.constant 0 : i32
    %dma_wait3A_192 = tpu.memref_slice %arg2[%dma_wait3A_189, %add3A_19, %dma_wait3A_190, %dma_wait3A_191] : memref<3x256x4x128xf32, #tpu.memory_space<hbm>> -> memref<3x64x4x128xf32, #tpu.memory_space<hbm>>
    %dma_wait3A_193 = arith.constant 0 : i32
    %dma_wait3A_194 = arith.constant 64 : i32
    %dma_wait3A_195 = arith.constant 0 : i32
    %dma_wait3A_196 = arith.constant 0 : i32
    %dma_wait3A_197 = tpu.memref_slice %arg3[%dma_wait3A_193, %dma_wait3A_194, %dma_wait3A_195, %dma_wait3A_196] : memref<3x128x4x128xf32, #tpu.memory_space<vmem_shared>> -> memref<3x64x4x128xf32, #tpu.memory_space<vmem_shared>>
    tpu.wait_dma2 semaphore(%arg6 : memref<!tpu.dma_semaphore, #tpu.memory_space<semaphore_mem>>) src(%dma_wait3A_197 : memref<3x64x4x128xf32, #tpu.memory_space<vmem_shared>>) dst(%dma_wait3A_192 : memref<3x64x4x128xf32, #tpu.memory_space<hbm>>)
    return
  }
}

</mosaic_0001>

<sc_bundles>
// kernel: kernel.3.cloned.1.call-start
scs
__scs_entry_jumppad:
0x0: {  	(pc) =	sbr.rel $0x88, $3  }
0x1: {  	(tag) =	ssettag $0x0;
	lr =	simm.s32 $0x1  }
0x2: {  	[smem:$0x3FA0] =	sst lr;
	_ =	strace $0xD0000000  }
0x3: {  	_ = 	snop  }
0x4: {  	_ = 	snop  }
0x5: {  	_ = 	snop  }
0x6: {  	_ = 	snop  }
0x7: {  	_ = 	snop  }
__scs_overlays_trampoline_lowered:
0x8: {  	[smem:$0x3FAF] =	sst s0  }
0x9: {  	[smem:$0x3FB0] =	sst s1  }
0xa: {  	[smem:$0x3FB1] =	sst s2  }
0xb: {  	[smem:$0x3FB2] =	sst s3  }
0xc: {  	[smem:$0x3FB3] =	sst s4  }
0xd: {  	[smem:$0x3FB4] =	sst s5  }
0xe: {  	[smem:$0x3FB5] =	sst s6  }
0xf: {  	[smem:$0x3FB6] =	sst s7  }
0x10: {  	[smem:$0x3FB7] =	sst s8  }
0x11: {  	[smem:$0x3FB8] =	sst s9;
	s0 =	simm.s32 @!p0 $0x0  }
0x12: {  	s1 =	sld [smem:$0x3F9E];
	s0 =	simm.s32 @p0 $0x1  }
0x13: {  	[smem:$0x3FB9] =	sst s0;
	s0 =	simm.s32 @!p1 $0x0  }
0x14: {  	s2 =	sld [smem:$0x3F9D];
	s0 =	simm.s32 @p1 $0x1  }
0x15: {  	[smem:$0x3FBA] =	sst s0;
	s0 =	simm.s32 @!p2 $0x0  }
0x16: {  	s3 =	sld [smem:$0x3FDB];
	s0 =	simm.s32 @p2 $0x1  }
0x17: {  	s4 =	simm.s32 $0x1BF5;
	[smem:$0x3FBC] =	sst s0  }
0x18: {  	s0 =	sld [smem:$0x3F9F];
	_ =	swait.ge [sflag:s4], $0x0  }
0x19: {  	s7 =	sld [smem:$0x3FA0]  }
0x1a: {  	s8 =	sadd.s32 $0xFFFFE003, lr  }
0x1b: {  	s9 =	sadd.s32 $0xFFFFFEF7, lr;
	s5 =	simm.s32 $0xFFFFFFFF;
	p2 =	slt.u32 s8, $0xFFFFF086  }
0x1c: {  	p1 =	slt.u32 s9, $0xF7A;
	s5 =	simm.s32 @!p2 $0x0  }
0x1d: {  	s5 =	simm.s32 @p1 $0x1;
	p0 =	seq.s32 s7, s2  }
0x1e: {  	s7 =	smul.u32 @!p0 $0xF7A, s2;
	p2 =	seq.s32 @!p0 s5, $0x0  }
0x1f: {  	s9 =	smul.u32 $0xF7A, s1;
	s8 =	simm.s32 @!p0 $0x1BF5;
	p2 =	por !p2, p0  }
0x20: {  	[sflag:s8] =	ssyncset.s32 @!p0 $0xFFFFF086;
	s6 =	sadd.s32 @!p0 s3, s7;
	s7 =	simm.s32 @!p0 $0x108  }
0x21: {  	s3 =	sadd.s32 s3, s9;
	s6 =	sadd.s32 @!p0 $0x88, s6;
	s7 =	simm.s32 @p2 $0x1082  }
0x22: {  	[simem:s7], [sflag:s8] =	dma.local @!p0 [hbm:s6], $0xF7A  }
0x23: {  	s9 =	sor.u32 $0xD0000000, s2;
	s6 =	simm.s32 $0x108;
	_ =	swait.ge @!p0 [sflag:s8], $0x0  }
0x24: {  	s3 =	sadd.s32 $0x88, s3;
	s6 =	simm.s32 @!p1 $0x1082;
	[sflag:s4] =	ssyncset.s32 $0xFFFFF086  }
0x25: {  	[simem:s6], [sflag:s4] =	dma.local [hbm:s3], $0xF7A  }
0x26: {  	[smem:$0x3FA0] =	sst s1;
	(tag) =	ssettag s2;
	_ =	strace s9  }
0x27: {  	s1 =	sld [smem:$0x3FB0]  }
0x28: {  	s2 =	sld [smem:$0x3FB1]  }
0x29: {  	s4 =	sld [smem:$0x3FB3]  }
0x2a: {  	p0 =	seq.s32 s5, $0x0;
	s5 =	sld [smem:$0x3FB4]  }
0x2b: {  	s6 =	sld [smem:$0x3FB5]  }
0x2c: {  	s7 =	sld [smem:$0x3FB6]  }
0x2d: {  	s3 =	simm.s32 $0x108;
	s8 =	sld [smem:$0x3FB7]  }
0x2e: {  	s3 =	simm.s32 @!p0 $0x1082;
	s9 =	sld [smem:$0x3FB8]  }
0x2f: {  	lr =	sadd.s32 s0, s3;
	s0 =	sld [smem:$0x3FAF]  }
0x30: {  	s3 =	sld [smem:$0x3FB2]  }
0x31: {  	[smem:$0x3FBB] =	sst s10  }
0x32: {  	s10 =	sld [smem:$0x3FB9];
	_ =	sdelay $0x3  }
0x33: {  	p0 =	seq.s32 s10, $0x1;
	s10 =	sld [smem:$0x3FBB];
	_ =	sdelay $0x3  }
0x34: {  	[smem:$0x3FBB] =	sst s10  }
0x35: {  	s10 =	sld [smem:$0x3FBA];
	_ =	sdelay $0x3  }
0x36: {  	p1 =	seq.s32 s10, $0x1;
	s10 =	sld [smem:$0x3FBB];
	_ =	sdelay $0x3  }
0x37: {  	[smem:$0x3FBB] =	sst s10  }
0x38: {  	s10 =	sld [smem:$0x3FBC]  }
0x39: {  	_ = 	snop;
	(pc) =	sbr.ind lr, $3  }
0x3a: {  	_ = 	snop  }
0x3b: {  	_ = 	snop  }
0x3c: {  	p2 =	seq.s32 s10, $0x1;
	s10 =	sld [smem:$0x3FBB]  }
0x3d: {  	_ =	shalt  }
0x3e: {  	_ =	shalt  }
0x3f: {  	_ =	shalt  }
0x40: {  	_ =	shalt  }
0x41: {  	_ =	shalt  }
0x42: {  	_ =	shalt  }
0x43: {  	_ =	shalt  }
0x44: {  	_ =	shalt  }
0x45: {  	_ =	shalt  }
0x46: {  	_ =	shalt  }
0x47: {  	_ =	shalt  }
0x48: {  	_ =	shalt  }
0x49: {  	_ =	shalt  }
0x4a: {  	_ =	shalt  }
0x4b: {  	_ =	shalt  }
0x4c: {  	_ =	shalt  }
0x4d: {  	_ =	shalt  }
0x4e: {  	_ =	shalt  }
0x4f: {  	_ =	shalt  }
0x50: {  	_ =	shalt  }
0x51: {  	_ =	shalt  }
0x52: {  	_ =	shalt  }
0x53: {  	_ =	shalt  }
0x54: {  	_ =	shalt  }
0x55: {  	_ =	shalt  }
0x56: {  	_ =	shalt  }
0x57: {  	_ =	shalt  }
0x58: {  	_ =	shalt  }
0x59: {  	_ =	shalt  }
0x5a: {  	_ =	shalt  }
0x5b: {  	_ =	shalt  }
0x5c: {  	_ =	shalt  }
0x5d: {  	_ =	shalt  }
0x5e: {  	_ =	shalt  }
0x5f: {  	_ =	shalt  }
0x60: {  	_ =	shalt  }
0x61: {  	_ =	shalt  }
0x62: {  	_ =	shalt  }
0x63: {  	_ =	shalt  }
0x64: {  	_ =	shalt  }
0x65: {  	_ =	shalt  }
0x66: {  	_ =	shalt  }
0x67: {  	_ =	shalt  }
0x68: {  	_ =	shalt  }
0x69: {  	_ =	shalt  }
0x6a: {  	_ =	shalt  }
0x6b: {  	_ =	shalt  }
0x6c: {  	_ =	shalt  }
0x6d: {  	_ =	shalt  }
0x6e: {  	_ =	shalt  }
0x6f: {  	_ =	shalt  }
0x70: {  	_ =	shalt  }
0x71: {  	_ =	shalt  }
0x72: {  	_ =	shalt  }
0x73: {  	_ =	shalt  }
0x74: {  	_ =	shalt  }
0x75: {  	_ =	shalt  }
0x76: {  	_ =	shalt  }
0x77: {  	_ =	shalt  }
0x78: {  	_ =	shalt  }
0x79: {  	_ =	shalt  }
0x7a: {  	_ =	shalt  }
0x7b: {  	_ =	shalt  }
0x7c: {  	_ =	shalt  }
0x7d: {  	_ =	shalt  }
0x7e: {  	_ =	shalt  }
0x7f: {  	_ =	shalt  }
0x80: {  	_ =	shalt  }
0x81: {  	_ =	shalt  }
0x82: {  	_ =	shalt  }
0x83: {  	_ =	shalt  }
0x84: {  	_ =	shalt  }
0x85: {  	_ =	shalt  }
0x86: {  	_ =	shalt  }
0x87: {  	_ =	shalt  }
.Lfunc_end0:
.L_simem_size_0:
called_computation_lowered:
.L_overlay_start_0:
0x88: {  	s2 =	sld [smem:$0x3FD9]  }
0x89: {  	s3 =	sld [smem:$0x3FFE];
	_ =	sdelay $0x1  }
0x8a: {  	s1 =	srdreg.scid  }
0x8b: {  	s0 =	sand.u32 $0x1, s1  }
0x8c: {  	s30 =	sshll.u32 s0, $0xA;
	s2 =	sadd.s32 s3, s2  }
0x8d: {  	s2 =	sadd.s32 s2, s30  }
0x8e: {  	s31 =	simm.s32 $0x0;
	[smem:$0x3FC7] =	sst s2  }
0x8f: {  	[smem:$0xF] =	sst s31  }
0x90: {  	s9 =	sld [smem:$0x3FC9]  }
0x91: {  	s2 =	sld [smem:$0x3FD0];
	(tm) =	ssettm $0x1  }
0x92: {  	s4 =	sld [smem:$0x3FFB];
	_ =	sdelay $0x3  }
0x93: {  	_ =	strace s4  }
0x94: {  	s4 =	sld [smem:$0x3FFC];
	_ =	sdelay $0x3  }
0x95: {  	_ =	strace s4  }
0x96: {  	s4 =	sld [smem:$0x3FFD];
	_ =	sdelay $0x3  }
0x97: {  	_ =	strace s4  }
0x98: {  	s11 =	simm.s32 $0x1B8B;
	_ =	strace $0x8FFFFFFF  }
0x99: {  	_ =	swait.ge [sflag:s11], $0x1  }
0x9a: {  	[sflag:s11] =	ssyncset.done $0x0  }
0x9b: {  	s12 =	simm.s32 $0x1B8E;
	[sflag:s11] =	ssyncadd.s32 $0xFFFFFFFF  }
0x9c: {  	[smem:$0x3FD2] =	sst s12  }
0x9d: {  	_ =	strace $0x80000046;
	[dreg:$0x0] =	wrdreg $0x4000  }
0x9e: {  	s5 =	sld [smem:$0x0]  }
0x9f: {  	[dreg:$0x1] =	wrdreg $0x2000  }
0xa0: {  	[dreg:$0x2] =	wrdreg $0x40  }
0xa1: {  	[dreg:$0x3] =	wrdreg $0x40  }
0xa2: {  	s14 =	simm.s32 $0x9;
	s13 =	sshll.u32 s0, $0xD;
	[dreg:$0x4] =	wrdreg $0x40  }
0xa3: {  	s7 =	sadd.s32 s13, s9;
	s6 =	sor.u32 $0x44000, s5;
	[dreg:$0x5] =	wrdreg $0x1  }
0xa4: {  	[spmem:s31], [sflag:s14] =	dma.general [hbm:s7], [sflag:s31], length:$0xC00, [dreg:$0x0], stride_count:$0x2, ici_dest:s6, dma_misc:DstOpCode:WRITE  }
0xa5: {  	[dreg:$0x0] =	wrdreg $0x4000  }
0xa6: {  	[dreg:$0x1] =	wrdreg $0x2000  }
0xa7: {  	[dreg:$0x2] =	wrdreg $0x40  }
0xa8: {  	[dreg:$0x3] =	wrdreg $0x40  }
0xa9: {  	[dreg:$0x4] =	wrdreg $0x40  }
0xaa: {  	s10 =	simm.s32 $0x10;
	s8 =	sadd.s32 $0x20, s7;
	[dreg:$0x5] =	wrdreg $0x1  }
0xab: {  	[spmem:s10], [sflag:s14] =	dma.general [hbm:s8], [sflag:s31], length:$0xC00, [dreg:$0x0], stride_count:$0x2, ici_dest:s6, dma_misc:DstOpCode:WRITE  }
0xac: {  	[dreg:$0x0] =	wrdreg $0x4000  }
0xad: {  	[dreg:$0x1] =	wrdreg $0x2000  }
0xae: {  	[dreg:$0x2] =	wrdreg $0x40  }
0xaf: {  	[dreg:$0x3] =	wrdreg $0x40  }
0xb0: {  	[dreg:$0x4] =	wrdreg $0x40  }
0xb1: {  	s16 =	simm.s32 $0x20;
	s15 =	sadd.s32 $0x10, s7;
	[dreg:$0x5] =	wrdreg $0x1  }
0xb2: {  	[spmem:s16], [sflag:s14] =	dma.general [hbm:s15], [sflag:s31], length:$0xC00, [dreg:$0x0], stride_count:$0x2, ici_dest:s6, dma_misc:DstOpCode:WRITE  }
0xb3: {  	[dreg:$0x0] =	wrdreg $0x4000  }
0xb4: {  	[dreg:$0x1] =	wrdreg $0x2000  }
0xb5: {  	[dreg:$0x2] =	wrdreg $0x40  }
0xb6: {  	[dreg:$0x3] =	wrdreg $0x40  }
0xb7: {  	[dreg:$0x4] =	wrdreg $0x40  }
0xb8: {  	s18 =	simm.s32 $0x30;
	s17 =	sadd.s32 $0x30, s7;
	[dreg:$0x5] =	wrdreg $0x1  }
0xb9: {  	[spmem:s18], [sflag:s14] =	dma.general [hbm:s17], [sflag:s31], length:$0xC00, [dreg:$0x0], stride_count:$0x2, ici_dest:s6, dma_misc:DstOpCode:WRITE  }
0xba: {  	[dreg:$0x0] =	wrdreg $0x4000  }
0xbb: {  	[dreg:$0x1] =	wrdreg $0x2000  }
0xbc: {  	[dreg:$0x2] =	wrdreg $0x40  }
0xbd: {  	[dreg:$0x3] =	wrdreg $0x40  }
0xbe: {  	s20 =	simm.s32 $0xA;
	s19 =	sor.u32 $0x1000, s13;
	[dreg:$0x4] =	wrdreg $0x40  }
0xbf: {  	s9 =	sadd.s32 s19, s9;
	s11 =	simm.s32 $0x1000;
	[dreg:$0x5] =	wrdreg $0x1  }
0xc0: {  	[spmem:s11], [sflag:s20] =	dma.general [hbm:s9], [sflag:s31], length:$0xC00, [dreg:$0x0], stride_count:$0x2, ici_dest:s6, dma_misc:DstOpCode:WRITE  }
0xc1: {  	[dreg:$0x0] =	wrdreg $0x4000  }
0xc2: {  	[dreg:$0x1] =	wrdreg $0x2000  }
0xc3: {  	[dreg:$0x2] =	wrdreg $0x40  }
0xc4: {  	[dreg:$0x3] =	wrdreg $0x40  }
0xc5: {  	[dreg:$0x4] =	wrdreg $0x40  }
0xc6: {  	s21 =	sadd.s32 $0x1020, s7;
	s12 =	simm.s32 $0x1010;
	[dreg:$0x5] =	wrdreg $0x1  }
0xc7: {  	[spmem:s12], [sflag:s20] =	dma.general [hbm:s21], [sflag:s31], length:$0xC00, [dreg:$0x0], stride_count:$0x2, ici_dest:s6, dma_misc:DstOpCode:WRITE  }
0xc8: {  	[dreg:$0x0] =	wrdreg $0x4000  }
0xc9: {  	[dreg:$0x1] =	wrdreg $0x2000  }
0xca: {  	[dreg:$0x2] =	wrdreg $0x40  }
0xcb: {  	[dreg:$0x3] =	wrdreg $0x40  }
0xcc: {  	[dreg:$0x4] =	wrdreg $0x40  }
0xcd: {  	s23 =	simm.s32 $0x1020;
	s22 =	sadd.s32 $0x1010, s7;
	[dreg:$0x5] =	wrdreg $0x1  }
0xce: {  	[spmem:s23], [sflag:s20] =	dma.general [hbm:s22], [sflag:s31], length:$0xC00, [dreg:$0x0], stride_count:$0x2, ici_dest:s6, dma_misc:DstOpCode:WRITE  }
0xcf: {  	[dreg:$0x0] =	wrdreg $0x4000  }
0xd0: {  	[dreg:$0x1] =	wrdreg $0x2000  }
0xd1: {  	[dreg:$0x2] =	wrdreg $0x40  }
0xd2: {  	[dreg:$0x3] =	wrdreg $0x40  }
0xd3: {  	[dreg:$0x4] =	wrdreg $0x40  }
0xd4: {  	s24 =	simm.s32 $0x1030;
	s7 =	sadd.s32 $0x1030, s7;
	[dreg:$0x5] =	wrdreg $0x1  }
0xd5: {  	[spmem:s24], [sflag:s20] =	dma.general [hbm:s7], [sflag:s31], length:$0xC00, [dreg:$0x0], stride_count:$0x2, ici_dest:s6, dma_misc:DstOpCode:WRITE  }
0xd6: {  	_ =	swait.ge [sflag:s14], $0xC00  }
0xd7: {  	[sflag:s14] =	ssyncset.done $0x0  }
0xd8: {  	[sflag:s14] =	ssyncadd.s32 $0xFFFFF400;
	_ =	sdelay $0x2  }
0xd9: {  	_ =	swait.ge [sflag:s14], $0xC00  }
0xda: {  	[sflag:s14] =	ssyncset.done $0x0  }
0xdb: {  	[sflag:s14] =	ssyncadd.s32 $0xFFFFF400;
	_ =	sdelay $0x2  }
0xdc: {  	_ =	swait.ge [sflag:s14], $0xC00  }
0xdd: {  	[sflag:s14] =	ssyncset.done $0x0  }
0xde: {  	[sflag:s14] =	ssyncadd.s32 $0xFFFFF400;
	_ =	sdelay $0x2  }
0xdf: {  	_ =	swait.ge [sflag:s14], $0xC00  }
0xe0: {  	[sflag:s14] =	ssyncset.done $0x0  }
0xe1: {  	s25 =	simm.s32 $0x100;
	s26 =	simm.s32 $0x4000;
	[sflag:s14] =	ssyncadd.s32 $0xFFFFF400  }
0xe2: {  	s28 =	simm.s32 $0x2000;
	s29 =	simm.s32 $0xB;
	s4 =	sadd.s32 s13, s2  }
0xe3: {  	[hbm:s4@s26], [sflag:s29] =	dma.strided [spmem:s31@s28], $0x3000, s25, $0x10   }
0xe4: {  	_ =	swait.ge [sflag:s20], $0xC00  }
0xe5: {  	[sflag:s20] =	ssyncset.done $0x0  }
0xe6: {  	[sflag:s20] =	ssyncadd.s32 $0xFFFFF400;
	_ =	sdelay $0x2  }
0xe7: {  	_ =	swait.ge [sflag:s20], $0xC00  }
0xe8: {  	[sflag:s20] =	ssyncset.done $0x0  }
0xe9: {  	[sflag:s20] =	ssyncadd.s32 $0xFFFFF400;
	_ =	sdelay $0x2  }
0xea: {  	_ =	swait.ge [sflag:s20], $0xC00  }
0xeb: {  	[sflag:s20] =	ssyncset.done $0x0  }
0xec: {  	[sflag:s20] =	ssyncadd.s32 $0xFFFFF400;
	_ =	sdelay $0x2  }
0xed: {  	_ =	swait.ge [sflag:s20], $0xC00  }
0xee: {  	[sflag:s20] =	ssyncset.done $0x0  }
0xef: {  	[sflag:s20] =	ssyncadd.s32 $0xFFFFF400  }
0xf0: {  	s2 =	sadd.s32 s19, s2  }
0xf1: {  	[hbm:s2@s26], [sflag:s29] =	dma.strided [spmem:s11@s28], $0x3000, s25, $0x10   }
0xf2: {  	_ =	swait.ge [sflag:s29], $0x3000  }
0xf3: {  	[sflag:s29] =	ssyncset.done $0x0  }
0xf4: {  	[sflag:s29] =	ssyncadd.s32 $0xFFFFD000;
	_ =	sdelay $0x2  }
0xf5: {  	_ =	swait.ge [sflag:s29], $0x3000  }
0xf6: {  	[sflag:s29] =	ssyncset.done $0x0  }
0xf7: {  	[sflag:s29] =	ssyncadd.s32 $0xFFFFD000  }
0xf8: {  	_ =	strace $0x90000046  }
0xf9: {  	_ =	sfence  }
0xfa: {  	s30 =	sld [smem:$0x0];
	_ =	sdelay $0x2  }
0xfb: {  	s31 =	sshll.u32 s1, $0xD;
	s1 =	sshrl.u32 s1, $0x2  }
0xfc: {  	s3 =	sand.u32 $0x4000, s31;
	s1 =	sadd.s32 s1, s30  }
0xfd: {  	s0 =	sor.u32 s3, s0;
	s1 =	sshll.u32 s1, $0x11  }
0xfe: {  	s0 =	sor.u32 s1, s0  }
0xff: {  	s0 =	sadd.s32 $0x8F2B, s0;
	(pc) =	sbr.abs _section_cstart, $3  }
0x100: {  	[sflag:s0] =	ssyncadd.remote.s32 $0x1  }
0x101: {  	_ =	strace $0x9FFFFFFF  }
0x102: {  	(tm) =	ssettm $0x7FFFFFFF  }
0x103: {  	_ =	shalt  }

</sc_bundles>
